<compile_context>
chip_gen: v7x
topology: tpu7x:2x2x1
jax: 0.10.2.dev20260603
libtpu: 0.0.44.dev20260713+nightly
codegen_flags: <defaults>
</compile_context>

<pallas_src>
import math

import jax
import jax.numpy as jnp
from jax import lax
from jax.experimental import pallas as pl
from jax.experimental.pallas import tpu as pltpu
from jax.experimental.pallas import tpu_sc as plsc

_T = 100
_L = 256
_B = 16384
_NC = 1
_NW = 16 * _NC
_BPW = _B // _NW
_LANES = 16
_GROUPS = _BPW // _LANES

_XSCALE = 0.5 * _L / math.pi


def _sc_body(x_hbm, et_hbm, ex_hbm, out_hbm, x_v, et_v, ex_v, out_v,
             sem_x, sem_tab, sem_out):
    wid = lax.axis_index("s") * _NC + lax.axis_index("c")
    base = wid * _BPW
    cp_x = pltpu.async_copy(x_hbm.at[pl.ds(2 * base, 2 * _BPW)], x_v, sem_x)
    cp_et = pltpu.async_copy(et_hbm, et_v, sem_tab)
    cp_ex = pltpu.async_copy(ex_hbm, ex_v, sem_tab)
    cp_x.wait()
    cp_et.wait()
    cp_ex.wait()

    ones = jnp.ones((_LANES,), jnp.int32)
    lane2 = lax.iota(jnp.int32, _LANES) * 2

    def group(i):
        p = lane2 + i * (2 * _LANES)
        xc = plsc.load_gather(x_v, [p])
        t = plsc.load_gather(x_v, [p + ones])
        ti = (t * float(_T - 1) + 0.5).astype(jnp.int32)
        xj = (xc * _XSCALE + 0.5).astype(jnp.int32)
        ti2 = jnp.minimum(ti, _T - 1) * 2
        xj2 = jnp.minimum(xj, _L - 1) * 2
        zt0 = plsc.load_gather(et_v, [ti2])
        zt1 = plsc.load_gather(et_v, [ti2 + ones])
        px0 = plsc.load_gather(ex_v, [xj2])
        px1 = plsc.load_gather(ex_v, [xj2 + ones])
        out_v[pl.ds(i * _LANES, _LANES)] = zt0 * px0 + zt1 * px1

    plsc.parallel_loop(0, _GROUPS, unroll=4)(group)
    cp_o = pltpu.async_copy(out_v, out_hbm.at[pl.ds(base, _BPW)], sem_out)
    cp_o.wait()


@jax.jit
def _run(x, et_weight, ex_weight):
    mesh = plsc.VectorSubcoreMesh(
        core_axis_name="c", subcore_axis_name="s", num_cores=_NC)
    fn = pl.kernel(
        _sc_body,
        out_type=jax.ShapeDtypeStruct((_B,), jnp.float32),
        mesh=mesh,
        compiler_params=pltpu.CompilerParams(needs_layout_passes=False),
        scratch_types=[
            pltpu.VMEM((2 * _BPW,), jnp.float32),
            pltpu.VMEM((2 * _T,), jnp.float32),
            pltpu.VMEM((2 * _L,), jnp.float32),
            pltpu.VMEM((_BPW,), jnp.float32),
            pltpu.SemaphoreType.DMA,
            pltpu.SemaphoreType.DMA,
            pltpu.SemaphoreType.DMA,
        ],
    )
    out = fn(x.reshape(-1), et_weight.reshape(-1), ex_weight.reshape(-1))
    return out.reshape(_B, 1)


def kernel(x, et_weight, ex_weight):
    return _run(x, et_weight, ex_weight)

# --- scband reference (transcript-rebuilt; emitter-appended) ---
"""Pipeline reference for scband-separation-embedding-dnn-41231686042159 (READ-ONLY COPY).

The authoritative reference and input builder live on the scoring server;
editing this copy changes nothing except your own understanding.
"""

import jax, jax.numpy as jnp
import numpy as np

T, L, EMB = 100, 256, 2

def setup_inputs(seed: int = 0) -> dict:
    key = jax.random.key(seed)
    k1, k2, k3 = jax.random.split(key, 3)
    B = 16384
    # Construct inputs so that thash(t) covers all of 0..T-1 and xhash(x) covers all of 0..L-1,
    # as required by the module's runtime assertions. t in [0,1], x in [0, 2*pi*(L-1)/L].
    idx = jax.random.permutation(k1, jnp.arange(B))
    t = (idx % T).astype(jnp.float32) / float(T - 1)
    xc = (idx % L).astype(jnp.float32) * (2.0 * np.pi / L)
    x = jnp.stack([xc, t], axis=1)
    bound = 1.0 / EMB
    xbound = bound / np.sqrt(T)
    tbound = bound / np.sqrt(L)
    # et/ex weights: module inits each row to the same small bias vector; materialize learned tables
    tbias = jax.random.uniform(k2, (EMB,), minval=-tbound, maxval=tbound, dtype=jnp.float32)
    xbias = jax.random.uniform(k3, (EMB,), minval=-xbound, maxval=xbound, dtype=jnp.float32)
    et_weight = jnp.tile(tbias[None, :], (T, 1))
    ex_weight = jnp.tile(xbias[None, :], (L, 1))
    return {"x": x, "et_weight": et_weight, "ex_weight": ex_weight}

def reference(x, et_weight, ex_weight):
    xc = x[:, 0]
    t = x[:, 1]
    # thash / xhash
    ti = jnp.round(t * (T - 1)).astype(jnp.int32)
    xj = jnp.round(xc / np.pi * 0.5 * L).astype(jnp.int32)
    # embedding lookups (gather)
    zt = jnp.take(et_weight, ti, axis=0)
    px = jnp.take(ex_weight, xj, axis=0)
    prod = zt * px
    # d(.) = sum over last dim, keepdim
    return jnp.sum(prod, axis=-1, keepdims=True)

if __name__ == "__main__":
    import jax
    _d = setup_inputs()
    print(jax.jit(kernel)(*tuple(_d.values())))

</pallas_src>

<mosaic_0001>
#map = affine_map<(d0, d1) -> (0)>
module attributes {stable_mosaic.version = 14 : i64} {
  func.func @_sc_body(%arg0: i32, %arg1: i32, %arg2: memref<32768xf32, #tpu.memory_space<hbm>>, %arg3: memref<200xf32, #tpu.memory_space<hbm>>, %arg4: memref<512xf32, #tpu.memory_space<hbm>>, %arg5: memref<16384xf32, #tpu.memory_space<hbm>>, %arg6: memref<2048xf32, #tpu.memory_space<vmem>>, %arg7: memref<200xf32, #tpu.memory_space<vmem>>, %arg8: memref<512xf32, #tpu.memory_space<vmem>>, %arg9: memref<1024xf32, #tpu.memory_space<vmem>>, %arg10: memref<!tpu.dma_semaphore, #tpu.memory_space<semaphore_mem>>, %arg11: memref<!tpu.dma_semaphore, #tpu.memory_space<semaphore_mem>>, %arg12: memref<!tpu.dma_semaphore, #tpu.memory_space<semaphore_mem>>) attributes {dimension_semantics = [#tpu.dimension_semantics<core_parallel>, #tpu.dimension_semantics<subcore_parallel>], iteration_bounds = array<i64: 1, 16>, scalar_prefetch = 0 : i64, scratch_operands = 7 : i64, tpu.core_type = #tpu.core_type<sc_vector_subcore>, window_params = [{transform_indices = #map}, {transform_indices = #map}, {transform_indices = #map}, {transform_indices = #map}]} {
    %mul3A = arith.constant 1 : i32
    %mul3A_0 = arith.muli %arg1, %mul3A : i32
    %add3A = arith.addi %mul3A_0, %arg0 : i32
    %mul3A_1 = arith.constant 1024 : i32
    %mul3A_2 = arith.muli %add3A, %mul3A_1 : i32
    %mul3A_3 = arith.constant 2 : i32
    %mul3A_4 = arith.muli %mul3A_3, %mul3A_2 : i32
    %dma_start3A = tpu.memref_slice %arg2[%mul3A_4] : memref<32768xf32, #tpu.memory_space<hbm>> -> memref<2048xf32, #tpu.memory_space<hbm>>
    %dma_start3A_5 = tpu.memref_slice %arg2[%mul3A_4] : memref<32768xf32, #tpu.memory_space<hbm>> -> memref<2048xf32, #tpu.memory_space<hbm>>
    tpu.enqueue_dma source(%dma_start3A_5 : memref<2048xf32, #tpu.memory_space<hbm>>) target(%arg6 : memref<2048xf32, #tpu.memory_space<vmem>>) target_semaphore(%arg10 : memref<!tpu.dma_semaphore, #tpu.memory_space<semaphore_mem>>)
    tpu.enqueue_dma source(%arg3 : memref<200xf32, #tpu.memory_space<hbm>>) target(%arg7 : memref<200xf32, #tpu.memory_space<vmem>>) target_semaphore(%arg11 : memref<!tpu.dma_semaphore, #tpu.memory_space<semaphore_mem>>)
    tpu.enqueue_dma source(%arg4 : memref<512xf32, #tpu.memory_space<hbm>>) target(%arg8 : memref<512xf32, #tpu.memory_space<vmem>>) target_semaphore(%arg11 : memref<!tpu.dma_semaphore, #tpu.memory_space<semaphore_mem>>)
    %dma_wait3A = tpu.memref_slice %arg2[%mul3A_4] : memref<32768xf32, #tpu.memory_space<hbm>> -> memref<2048xf32, #tpu.memory_space<hbm>>
    %dma_wait3A_6 = tpu.memref_slice %arg2[%mul3A_4] : memref<32768xf32, #tpu.memory_space<hbm>> -> memref<2048xf32, #tpu.memory_space<hbm>>
    tpu.wait_dma2 semaphore(%arg10 : memref<!tpu.dma_semaphore, #tpu.memory_space<semaphore_mem>>) src(%dma_wait3A_6 : memref<2048xf32, #tpu.memory_space<hbm>>) dst(%arg6 : memref<2048xf32, #tpu.memory_space<vmem>>)
    tpu.wait_dma2 semaphore(%arg11 : memref<!tpu.dma_semaphore, #tpu.memory_space<semaphore_mem>>) src(%arg3 : memref<200xf32, #tpu.memory_space<hbm>>) dst(%arg7 : memref<200xf32, #tpu.memory_space<vmem>>)
    tpu.wait_dma2 semaphore(%arg11 : memref<!tpu.dma_semaphore, #tpu.memory_space<semaphore_mem>>) src(%arg4 : memref<512xf32, #tpu.memory_space<hbm>>) dst(%arg8 : memref<512xf32, #tpu.memory_space<vmem>>)
    %broadcast_in_dim3A = arith.constant 1 : i32
    %broadcast_in_dim3A_7 = vector.broadcast %broadcast_in_dim3A : i32 to vector<16xi32>
    %iota3A = tpu.iota {dimensions = array<i32: 0>} : vector<16xi32>
    %mul3A_8 = arith.constant 2 : i32
    %mul3A_9 = vector.broadcast %mul3A_8 : i32 to vector<16xi32>
    %mul3A_10 = arith.muli %iota3A, %mul3A_9 : vector<16xi32>
    %parallel_loop3A = arith.constant 0 : i32
    %parallel_loop3A_11 = arith.constant 64 : i32
    %parallel_loop3A_12 = arith.constant 1 : i32
    scf.for %parallel_loop3A_17 = %parallel_loop3A to %parallel_loop3A_11 step %parallel_loop3A_12  : i32 {
      %parallel_loop3A_18 = arith.constant 32 : i32
      %parallel_loop3A_19 = arith.muli %parallel_loop3A_17, %parallel_loop3A_18 : i32
      %parallel_loop3A_20 = vector.broadcast %parallel_loop3A_19 : i32 to vector<16xi32>
      %parallel_loop3A_21 = arith.addi %mul3A_10, %parallel_loop3A_20 : vector<16xi32>
      %parallel_loop3A_22 = tpu.vector_load_idx %arg6[%parallel_loop3A_21] : memref<2048xf32, #tpu.memory_space<vmem>>[vector<16xi32>], vector<16xf32>,
      %parallel_loop3A_23 = arith.addi %parallel_loop3A_21, %broadcast_in_dim3A_7 : vector<16xi32>
      %parallel_loop3A_24 = tpu.vector_load_idx %arg6[%parallel_loop3A_23] : memref<2048xf32, #tpu.memory_space<vmem>>[vector<16xi32>], vector<16xf32>,
      %parallel_loop3A_25 = arith.constant 9.900000e+01 : f32
      %parallel_loop3A_26 = vector.broadcast %parallel_loop3A_25 : f32 to vector<16xf32>
      %parallel_loop3A_27 = arith.mulf %parallel_loop3A_24, %parallel_loop3A_26 : vector<16xf32>
      %parallel_loop3A_28 = arith.constant 5.000000e-01 : f32
      %parallel_loop3A_29 = vector.broadcast %parallel_loop3A_28 : f32 to vector<16xf32>
      %parallel_loop3A_30 = arith.addf %parallel_loop3A_27, %parallel_loop3A_29 : vector<16xf32>
      %parallel_loop3A_31 = arith.fptosi %parallel_loop3A_30 : vector<16xf32> to vector<16xi32>
      %parallel_loop3A_32 = arith.constant 40.7436638 : f32
      %parallel_loop3A_33 = vector.broadcast %parallel_loop3A_32 : f32 to vector<16xf32>
      %parallel_loop3A_34 = arith.mulf %parallel_loop3A_22, %parallel_loop3A_33 : vector<16xf32>
      %parallel_loop3A_35 = arith.constant 5.000000e-01 : f32
      %parallel_loop3A_36 = vector.broadcast %parallel_loop3A_35 : f32 to vector<16xf32>
      %parallel_loop3A_37 = arith.addf %parallel_loop3A_34, %parallel_loop3A_36 : vector<16xf32>
      %parallel_loop3A_38 = arith.fptosi %parallel_loop3A_37 : vector<16xf32> to vector<16xi32>
      %parallel_loop3A_39 = arith.constant 99 : i32
      %parallel_loop3A_40 = vector.broadcast %parallel_loop3A_39 : i32 to vector<16xi32>
      %parallel_loop3A_41 = arith.minsi %parallel_loop3A_31, %parallel_loop3A_40 : vector<16xi32>
      %parallel_loop3A_42 = arith.constant 2 : i32
      %parallel_loop3A_43 = vector.broadcast %parallel_loop3A_42 : i32 to vector<16xi32>
      %parallel_loop3A_44 = arith.muli %parallel_loop3A_41, %parallel_loop3A_43 : vector<16xi32>
      %parallel_loop3A_45 = arith.constant 255 : i32
      %parallel_loop3A_46 = vector.broadcast %parallel_loop3A_45 : i32 to vector<16xi32>
      %parallel_loop3A_47 = arith.minsi %parallel_loop3A_38, %parallel_loop3A_46 : vector<16xi32>
      %parallel_loop3A_48 = arith.constant 2 : i32
      %parallel_loop3A_49 = vector.broadcast %parallel_loop3A_48 : i32 to vector<16xi32>
      %parallel_loop3A_50 = arith.muli %parallel_loop3A_47, %parallel_loop3A_49 : vector<16xi32>
      %parallel_loop3A_51 = tpu.vector_load_idx %arg7[%parallel_loop3A_44] : memref<200xf32, #tpu.memory_space<vmem>>[vector<16xi32>], vector<16xf32>,
      %parallel_loop3A_52 = arith.addi %parallel_loop3A_44, %broadcast_in_dim3A_7 : vector<16xi32>
      %parallel_loop3A_53 = tpu.vector_load_idx %arg7[%parallel_loop3A_52] : memref<200xf32, #tpu.memory_space<vmem>>[vector<16xi32>], vector<16xf32>,
      %parallel_loop3A_54 = tpu.vector_load_idx %arg8[%parallel_loop3A_50] : memref<512xf32, #tpu.memory_space<vmem>>[vector<16xi32>], vector<16xf32>,
      %parallel_loop3A_55 = arith.addi %parallel_loop3A_50, %broadcast_in_dim3A_7 : vector<16xi32>
      %parallel_loop3A_56 = tpu.vector_load_idx %arg8[%parallel_loop3A_55] : memref<512xf32, #tpu.memory_space<vmem>>[vector<16xi32>], vector<16xf32>,
      %parallel_loop3A_57 = arith.mulf %parallel_loop3A_51, %parallel_loop3A_54 : vector<16xf32>
      %parallel_loop3A_58 = arith.mulf %parallel_loop3A_53, %parallel_loop3A_56 : vector<16xf32>
      %parallel_loop3A_59 = arith.addf %parallel_loop3A_57, %parallel_loop3A_58 : vector<16xf32>
      %parallel_loop3A_60 = arith.constant 16 : i32
      %parallel_loop3A_61 = arith.muli %parallel_loop3A_17, %parallel_loop3A_60 : i32
      %parallel_loop3A_62 = arith.index_cast %parallel_loop3A_61 : i32 to index
      %parallel_loop3A_63 = tpu.vector_load %arg9[%parallel_loop3A_62] {strides = array<i32>} : memref<1024xf32, #tpu.memory_space<vmem>>, vector<16xf32>,
      tpu.vector_store %arg9[%parallel_loop3A_62], %parallel_loop3A_59 {strides = array<i32>} : memref<1024xf32, #tpu.memory_space<vmem>>, vector<16xf32>,
    } {sc.loop_unroll_factor = 4 : i64, sc.parallel_access}
    %dma_start3A_13 = tpu.memref_slice %arg5[%mul3A_2] : memref<16384xf32, #tpu.memory_space<hbm>> -> memref<1024xf32, #tpu.memory_space<hbm>>
    %dma_start3A_14 = tpu.memref_slice %arg5[%mul3A_2] : memref<16384xf32, #tpu.memory_space<hbm>> -> memref<1024xf32, #tpu.memory_space<hbm>>
    tpu.enqueue_dma source(%arg9 : memref<1024xf32, #tpu.memory_space<vmem>>) target(%dma_start3A_14 : memref<1024xf32, #tpu.memory_space<hbm>>) target_semaphore(%arg12 : memref<!tpu.dma_semaphore, #tpu.memory_space<semaphore_mem>>)
    %dma_wait3A_15 = tpu.memref_slice %arg5[%mul3A_2] : memref<16384xf32, #tpu.memory_space<hbm>> -> memref<1024xf32, #tpu.memory_space<hbm>>
    %dma_wait3A_16 = tpu.memref_slice %arg5[%mul3A_2] : memref<16384xf32, #tpu.memory_space<hbm>> -> memref<1024xf32, #tpu.memory_space<hbm>>
    tpu.wait_dma2 semaphore(%arg12 : memref<!tpu.dma_semaphore, #tpu.memory_space<semaphore_mem>>) src(%arg9 : memref<1024xf32, #tpu.memory_space<vmem>>) dst(%dma_wait3A_16 : memref<1024xf32, #tpu.memory_space<hbm>>)
    return
  }
}

</mosaic_0001>

<sc_bundles>
// kernel: _run.3.cloned.1.call-start
scs
__scs_entry_jumppad:
0x0: {  	(pc) =	sbr.rel $0x88, $3  }
0x1: {  	(tag) =	ssettag $0x0;
	lr =	simm.s32 $0x1  }
0x2: {  	[smem:$0x3F9E] =	sst lr;
	_ =	strace $0xD0000000  }
0x3: {  	_ = 	snop  }
0x4: {  	_ = 	snop  }
0x5: {  	_ = 	snop  }
0x6: {  	_ = 	snop  }
0x7: {  	_ = 	snop  }
__scs_overlays_trampoline_lowered:
0x8: {  	[smem:$0x3FAD] =	sst s0  }
0x9: {  	[smem:$0x3FAE] =	sst s1  }
0xa: {  	[smem:$0x3FAF] =	sst s2  }
0xb: {  	[smem:$0x3FB0] =	sst s3  }
0xc: {  	[smem:$0x3FB1] =	sst s4  }
0xd: {  	[smem:$0x3FB2] =	sst s5  }
0xe: {  	[smem:$0x3FB3] =	sst s6  }
0xf: {  	[smem:$0x3FB4] =	sst s7  }
0x10: {  	[smem:$0x3FB5] =	sst s8  }
0x11: {  	[smem:$0x3FB6] =	sst s9;
	s0 =	simm.s32 @!p0 $0x0  }
0x12: {  	s1 =	sld [smem:$0x3F9C];
	s0 =	simm.s32 @p0 $0x1  }
0x13: {  	[smem:$0x3FB7] =	sst s0;
	s0 =	simm.s32 @!p1 $0x0  }
0x14: {  	s2 =	sld [smem:$0x3F9B];
	s0 =	simm.s32 @p1 $0x1  }
0x15: {  	[smem:$0x3FB8] =	sst s0;
	s0 =	simm.s32 @!p2 $0x0  }
0x16: {  	s3 =	sld [smem:$0x3FDB];
	s0 =	simm.s32 @p2 $0x1  }
0x17: {  	s4 =	simm.s32 $0x1BF5;
	[smem:$0x3FBA] =	sst s0  }
0x18: {  	s0 =	sld [smem:$0x3F9D];
	_ =	swait.ge [sflag:s4], $0x0  }
0x19: {  	s7 =	sld [smem:$0x3F9E]  }
0x1a: {  	s8 =	sadd.s32 $0xFFFFE003, lr  }
0x1b: {  	s9 =	sadd.s32 $0xFFFFFEF7, lr;
	s5 =	simm.s32 $0xFFFFFFFF;
	p2 =	slt.u32 s8, $0xFFFFF086  }
0x1c: {  	p1 =	slt.u32 s9, $0xF7A;
	s5 =	simm.s32 @!p2 $0x0  }
0x1d: {  	s5 =	simm.s32 @p1 $0x1;
	p0 =	seq.s32 s7, s2  }
0x1e: {  	s7 =	smul.u32 @!p0 $0xF7A, s2;
	p2 =	seq.s32 @!p0 s5, $0x0  }
0x1f: {  	s9 =	smul.u32 $0xF7A, s1;
	s8 =	simm.s32 @!p0 $0x1BF5;
	p2 =	por !p2, p0  }
0x20: {  	[sflag:s8] =	ssyncset.s32 @!p0 $0xFFFFF086;
	s6 =	sadd.s32 @!p0 s3, s7;
	s7 =	simm.s32 @!p0 $0x108  }
0x21: {  	s3 =	sadd.s32 s3, s9;
	s6 =	sadd.s32 @!p0 $0x88, s6;
	s7 =	simm.s32 @p2 $0x1082  }
0x22: {  	[simem:s7], [sflag:s8] =	dma.local @!p0 [hbm:s6], $0xF7A  }
0x23: {  	s9 =	sor.u32 $0xD0000000, s2;
	s6 =	simm.s32 $0x108;
	_ =	swait.ge @!p0 [sflag:s8], $0x0  }
0x24: {  	s3 =	sadd.s32 $0x88, s3;
	s6 =	simm.s32 @!p1 $0x1082;
	[sflag:s4] =	ssyncset.s32 $0xFFFFF086  }
0x25: {  	[simem:s6], [sflag:s4] =	dma.local [hbm:s3], $0xF7A  }
0x26: {  	[smem:$0x3F9E] =	sst s1;
	(tag) =	ssettag s2;
	_ =	strace s9  }
0x27: {  	s1 =	sld [smem:$0x3FAE]  }
0x28: {  	s2 =	sld [smem:$0x3FAF]  }
0x29: {  	s4 =	sld [smem:$0x3FB1]  }
0x2a: {  	p0 =	seq.s32 s5, $0x0;
	s5 =	sld [smem:$0x3FB2]  }
0x2b: {  	s6 =	sld [smem:$0x3FB3]  }
0x2c: {  	s7 =	sld [smem:$0x3FB4]  }
0x2d: {  	s3 =	simm.s32 $0x108;
	s8 =	sld [smem:$0x3FB5]  }
0x2e: {  	s3 =	simm.s32 @!p0 $0x1082;
	s9 =	sld [smem:$0x3FB6]  }
0x2f: {  	lr =	sadd.s32 s0, s3;
	s0 =	sld [smem:$0x3FAD]  }
0x30: {  	s3 =	sld [smem:$0x3FB0]  }
0x31: {  	[smem:$0x3FB9] =	sst s10  }
0x32: {  	s10 =	sld [smem:$0x3FB7];
	_ =	sdelay $0x3  }
0x33: {  	p0 =	seq.s32 s10, $0x1;
	s10 =	sld [smem:$0x3FB9];
	_ =	sdelay $0x3  }
0x34: {  	[smem:$0x3FB9] =	sst s10  }
0x35: {  	s10 =	sld [smem:$0x3FB8];
	_ =	sdelay $0x3  }
0x36: {  	p1 =	seq.s32 s10, $0x1;
	s10 =	sld [smem:$0x3FB9];
	_ =	sdelay $0x3  }
0x37: {  	[smem:$0x3FB9] =	sst s10  }
0x38: {  	s10 =	sld [smem:$0x3FBA]  }
0x39: {  	_ = 	snop;
	(pc) =	sbr.ind lr, $3  }
0x3a: {  	_ = 	snop  }
0x3b: {  	_ = 	snop  }
0x3c: {  	p2 =	seq.s32 s10, $0x1;
	s10 =	sld [smem:$0x3FB9]  }
0x3d: {  	_ =	shalt  }
0x3e: {  	_ =	shalt  }
0x3f: {  	_ =	shalt  }
0x40: {  	_ =	shalt  }
0x41: {  	_ =	shalt  }
0x42: {  	_ =	shalt  }
0x43: {  	_ =	shalt  }
0x44: {  	_ =	shalt  }
0x45: {  	_ =	shalt  }
0x46: {  	_ =	shalt  }
0x47: {  	_ =	shalt  }
0x48: {  	_ =	shalt  }
0x49: {  	_ =	shalt  }
0x4a: {  	_ =	shalt  }
0x4b: {  	_ =	shalt  }
0x4c: {  	_ =	shalt  }
0x4d: {  	_ =	shalt  }
0x4e: {  	_ =	shalt  }
0x4f: {  	_ =	shalt  }
0x50: {  	_ =	shalt  }
0x51: {  	_ =	shalt  }
0x52: {  	_ =	shalt  }
0x53: {  	_ =	shalt  }
0x54: {  	_ =	shalt  }
0x55: {  	_ =	shalt  }
0x56: {  	_ =	shalt  }
0x57: {  	_ =	shalt  }
0x58: {  	_ =	shalt  }
0x59: {  	_ =	shalt  }
0x5a: {  	_ =	shalt  }
0x5b: {  	_ =	shalt  }
0x5c: {  	_ =	shalt  }
0x5d: {  	_ =	shalt  }
0x5e: {  	_ =	shalt  }
0x5f: {  	_ =	shalt  }
0x60: {  	_ =	shalt  }
0x61: {  	_ =	shalt  }
0x62: {  	_ =	shalt  }
0x63: {  	_ =	shalt  }
0x64: {  	_ =	shalt  }
0x65: {  	_ =	shalt  }
0x66: {  	_ =	shalt  }
0x67: {  	_ =	shalt  }
0x68: {  	_ =	shalt  }
0x69: {  	_ =	shalt  }
0x6a: {  	_ =	shalt  }
0x6b: {  	_ =	shalt  }
0x6c: {  	_ =	shalt  }
0x6d: {  	_ =	shalt  }
0x6e: {  	_ =	shalt  }
0x6f: {  	_ =	shalt  }
0x70: {  	_ =	shalt  }
0x71: {  	_ =	shalt  }
0x72: {  	_ =	shalt  }
0x73: {  	_ =	shalt  }
0x74: {  	_ =	shalt  }
0x75: {  	_ =	shalt  }
0x76: {  	_ =	shalt  }
0x77: {  	_ =	shalt  }
0x78: {  	_ =	shalt  }
0x79: {  	_ =	shalt  }
0x7a: {  	_ =	shalt  }
0x7b: {  	_ =	shalt  }
0x7c: {  	_ =	shalt  }
0x7d: {  	_ =	shalt  }
0x7e: {  	_ =	shalt  }
0x7f: {  	_ =	shalt  }
0x80: {  	_ =	shalt  }
0x81: {  	_ =	shalt  }
0x82: {  	_ =	shalt  }
0x83: {  	_ =	shalt  }
0x84: {  	_ =	shalt  }
0x85: {  	_ =	shalt  }
0x86: {  	_ =	shalt  }
0x87: {  	_ =	shalt  }
.Lfunc_end0:
.L_simem_size_0:
called_computation_lowered:
.L_overlay_start_0:
0x88: {  	s0 =	sld [smem:$0x3FD9]  }
0x89: {  	s1 =	sld [smem:$0x3FFE];
	_ =	sdelay $0x3  }
0x8a: {  	s0 =	sadd.s32 s1, s0  }
0x8b: {  	[smem:$0x3FC5] =	sst s0  }
0x8c: {  	_ = 	snop  }
0x8d: {  	s0 =	sld [smem:$0x3FD0];
	(tm) =	ssettm $0x1  }
0x8e: {  	s16 =	sld [smem:$0x3FFB];
	_ =	sdelay $0x3  }
0x8f: {  	_ =	strace s16  }
0x90: {  	s1 =	sld [smem:$0x3FFC];
	_ =	sdelay $0x3  }
0x91: {  	_ =	strace s1  }
0x92: {  	s1 =	sld [smem:$0x3FFD];
	_ =	sdelay $0x3  }
0x93: {  	_ =	strace s1  }
0x94: {  	_ =	strace $0x8FFFFFFF  }
0x95: {  	s17 =	sld [smem:$0x3FDB];
	_ =	sdelay $0x1  }
0x96: {  	s2 =	simm.s32 $_scs_section_size  }
0x97: {  	s3 =	simm.s32 $_size__tile_overlayer_lowered;
	s4 =	simm.s32 $_tile_overlayer_lowered  }
0x98: {  	s20 =	simm.s32 $0x1BFF;
	s19 =	sshll.u32 s4, $0x1;
	s1 =	sadd.s32 s2, s17  }
0x99: {  	s5 =	simm.s32 $0x0;
	s18 =	sshll.u32 s3, $0x1;
	s3 =	sadd.s32 s19, s1  }
0x9a: {  	[timem:s5], [sflag:s20] =	dma.local [hbm:s3], s18  }
0x9b: {  	_ =	swait.ge [sflag:s20], s18  }
0x9c: {  	s2 =	ssub.s32 $0x0, s18;
	[sflag:s20] =	ssyncset.done $0x0  }
0x9d: {  	[sflag:s20] =	ssyncadd.s32 s2;
	_ =	sdelay $0x1  }
0x9e: {  	s21 =	simm.s32 $0x1B8B  }
0x9f: {  	_ =	swait.ge [sflag:s21], $0x1  }
0xa0: {  	[sflag:s21] =	ssyncset.done $0x0  }
0xa1: {  	s23 =	simm.s32 $0x1B8E;
	s22 =	sld [smem:$0x3FFE];
	[sflag:s21] =	ssyncadd.s32 $0xFFFFFFFF  }
0xa2: {  	s24 =	simm.s32 $execute0_lowered;
	[smem:$0x3FD2] =	sst s23  }
0xa3: {  	s3 =	sshll.u32 s24, $0x1;
	_ =	strace $0x80000046;
	[dreg:$0x1] =	wrdreg $0xFFFFFFFF  }
0xa4: {  	s25 =	simm.s32 $_size_execute0_lowered;
	s1 =	sadd.s32 s1, s3;
	[dreg:$0x0] =	wrdreg $0x0  }
0xa5: {  	s3 =	sshll.u32 s25, $0x1;
	[dreg:$0x2] =	wrdreg s1  }
0xa6: {  	[dreg:$0x3] =	wrdreg s3  }
0xa7: {  	[dreg:$0x4] =	wrdreg $0xC0  }
0xa8: {  	_ =	task [dreg:s5], $0x5FFFF  }
0xa9: {  	[dreg:$0x1] =	wrdreg $0xFFFFFFFF  }
0xaa: {  	[dreg:$0x0] =	wrdreg $0x60  }
0xab: {  	[dreg:$0x2] =	wrdreg s22  }
0xac: {  	[dreg:$0x3] =	wrdreg s0  }
0xad: {  	[dreg:$0x4] =	wrdreg $0x9  }
0xae: {  	_ =	task.clear_ibuf [dreg:s5], $0x5FFFF;
	_ =	strace $0x90000046  }
0xaf: {  	s26 =	simm.s32 $0x9;
	_ =	strace $0x80000048  }
0xb0: {  	_ =	swait.ge [sflag:s26], $0x1  }
0xb1: {  	[sflag:s26] =	ssyncadd.s32 $0xFFFFFFFF  }
0xb2: {  	_ =	strace $0x90000048  }
0xb3: {  	_ =	sfence  }
0xb4: {  	s28 =	sld [smem:$0x0];
	_ =	sdelay $0x1  }
0xb5: {  	s29 =	srdreg.scid  }
0xb6: {  	s30 =	sshll.u32 s29, $0xD;
	s31 =	sshrl.u32 s29, $0x2  }
0xb7: {  	s2 =	sand.u32 $0x4000, s30;
	s1 =	sand.u32 $0x1, s29;
	s0 =	sadd.s32 s31, s28  }
0xb8: {  	s1 =	sor.u32 s2, s1;
	s0 =	sshll.u32 s0, $0x11  }
0xb9: {  	s0 =	sor.u32 s0, s1  }
0xba: {  	s0 =	sadd.s32 $0x8F2B, s0  }
0xbb: {  	[sflag:s0] =	ssyncadd.remote.s32 $0x1  }
0xbc: {  	_ =	sfence.sel $0xFFFF  }
0xbd: {  	[dreg:$0x0] =	wrdreg $0xFFFFFFFF;
	(pc) =	sbr.abs _section_cstart, $3  }
0xbe: {  	[dreg:$0x1] =	wrdreg $0xFFFFFFFF  }
0xbf: {  	_ =	task.clear_ibuf [dreg:s5], $0x2FFFF;
	_ =	strace $0x9FFFFFFF  }
0xc0: {  	(tm) =	ssettm $0x7FFFFFFF  }
0xc1: {  	_ =	shalt  }
tec
execute0_lowered:
.L_overlay_start_1:
0x0: {  	(tag) =	ssettag $0x1  }
0x1: {  	s3 =	rddreg [dreg:$0x0];
	s1 =	stileid.u32  }
0x2: {  	s2 =	rddreg [dreg:$0x1];
	s5 =	simm.s32 $0x0;
	s4 =	sshll.u32 s1, $0x8  }
0x3: {  	[smem:$0x7FF] =	sst s5;
	s4 =	sadd.s32 s4, s3  }
0x4: {  	s0 =	rddreg [dreg:$0x2];
	_ =	strace $0x80000047;
	s4 =	sadd.s32 $0x800, s4  }
0x5: {  	[tilespmem:s5], [sflag:$0x1] =	stream.linear.gather [hbm4b:s4+s5], $0x800, $0x38;
	[tilespmem:$0xF00] =	vst v63  }
0x6: {  	s6 =	sadd.s32 $0x1A00, s3;
	s4 =	simm.s32 $0x800  }
0x7: {  	[tilespmem:s4], [sflag:$0x2] =	stream.linear.gather [hbm4b:s6+s5], $0x100, $0x38;
	[tilespmem:$0xF00] =	vst v63  }
0x8: {  	s20 =	simm.s32 $0x1;
	s19 =	sadd.s32 $0x1800, s3;
	s3 =	simm.s32 $0x900  }
0x9: {  	[tilespmem:s3], [sflag:$0x2] =	stream.linear.gather [hbm4b:s19+s5], $0x200, $0x38;
	[tilespmem:$0xF00] =	vst v63  }
0xa: {  	_ =	swait.ge [sflag:s20], $0x800  }
0xb: {  	v0 =	vlaneseq.u32;
	[sflag:s20] =	ssyncset.done $0x0  }
0xc: {  	s21 =	simm.s32 $0x2;
	v0 =	vmul.u32 $0x2, v0;
	[sflag:s20] =	ssyncadd.s32 $0xFFFFF800  }
0xd: {  	_ =	swait.ge [sflag:s21], $0x100  }
0xe: {  	s7 =	simm.s32 $0x60;
	v1 =	vor.u32 $0x61, v0;
	v4 =	vor.u32 s5, v0;
	[sflag:s21] =	ssyncset.done $0x0  }
0xf: {  	v5 =	vor.u32 s7, v1;
	[sflag:s21] =	ssyncadd.s32 $0xFFFFFF00  }
0x10: {  	s8 =	simm.s32 $0x20;
	v6 =	vor.u32 s7, v0;
	_ =	swait.ge [sflag:s21], $0x200  }
0x11: {  	v2 =	vor.u32 $0x21, v0;
	v7 =	vor.u32 s8, v0;
	[sflag:s21] =	ssyncset.done $0x0  }
0x12: {  	s22 =	simm.s32 $0x40;
	v8 =	vor.u32 s8, v2;
	[sflag:s21] =	ssyncadd.s32 $0xFFFFFE00  }
0x13: {  	v3 =	vor.u32 $0x41, v0;
	v9 =	vor.u32 s22, v0;
	v10 =	vld.idx.msk [tilespmem:v4+s5+$0x0], $0xffff  }
0x14: {  	s23 =	simm.s32 $0x80;
	v11 =	vor.u32 s22, v3;
	v5 =	vld.idx.msk [tilespmem:v5+s5+$0x0], $0xffff  }
0x15: {  	s24 =	simm.s32 $0xE0;
	v15 =	vor.u32 s23, v0;
	v6 =	vld.idx.msk [tilespmem:v6+s5+$0x0], $0xffff  }
0x16: {  	s26 =	simm.s32 $0xC0;
	v16 =	vor.u32 s24, v1;
	v7 =	vld.idx.msk [tilespmem:v7+s5+$0x0], $0xffff  }
0x17: {  	v22 =	vor.u32 s26, v3;
	v8 =	vld.idx.msk [tilespmem:v8+s5+$0x0], $0xffff  }
0x18: {  	s25 =	simm.s32 $0xA0;
	s28 =	simm.s32 $0x100;
	v18 =	vor.u32 s24, v0;
	v9 =	vld.idx.msk [tilespmem:v9+s5+$0x0], $0xffff  }
0x19: {  	s29 =	simm.s32 $0x120;
	s30 =	simm.s32 $0x140;
	s31 =	simm.s32 $0x160;
	v19 =	vor.u32 s25, v0;
	v21 =	vor.u32 s26, v0;
	v28 =	vor.u32 s28, v0;
	v11 =	vld.idx.msk [tilespmem:v11+s5+$0x0], $0xffff  }
0x1a: {  	v30 =	vor.u32 s29, v0;
	v33 =	vor.u32 s30, v0;
	v35 =	vor.u32 s31, v0;
	v15 =	vld.idx.msk [tilespmem:v15+s5+$0x0], $0xffff  }
0x1b: {  	v20 =	vor.u32 s25, v2;
	v31 =	vor.u32 s29, v2;
	v32 =	vor.u32 s31, v1;
	v16 =	vld.idx.msk [tilespmem:v16+s5+$0x0], $0xffff  }
0x1c: {  	v34 =	vor.u32 s30, v3;
	v22 =	vld.idx.msk [tilespmem:v22+s5+$0x0], $0xffff;
	v10 =	vmul.f32 $4.074366380e+01, v10;
	v5 =	vmul.f32 $9.900000000e+01, v5  }
0x1d: {  	v4 =	vor.u32 $0x1, v0;
	v6 =	vmul.f32 $4.074366380e+01, v6;
	v7 =	vmul.f32 $4.074366380e+01, v7  }
0x1e: {  	v12 =	vor.u32 s5, v4;
	v8 =	vmul.f32 $9.900000000e+01, v8;
	v9 =	vmul.f32 $4.074366380e+01, v9  }
0x1f: {  	v11 =	vmul.f32 $9.900000000e+01, v11;
	v15 =	vmul.f32 $4.074366380e+01, v15;
	v10 =	vadd.f32 $5.000000000e-01, v10  }
0x20: {  	v16 =	vmul.f32 $9.900000000e+01, v16;
	v5 =	vadd.f32 $5.000000000e-01, v5;
	v6 =	vadd.f32 $5.000000000e-01, v6  }
0x21: {  	v22 =	vmul.f32 $9.900000000e+01, v22;
	v7 =	vadd.f32 $5.000000000e-01, v7;
	v8 =	vadd.f32 $5.000000000e-01, v8  }
0x22: {  	v9 =	vadd.f32 $5.000000000e-01, v9;
	v11 =	vadd.f32 $5.000000000e-01, v11;
	v5 =	vtrunc.f32 v5  }
0x23: {  	v16 =	vadd.f32 $5.000000000e-01, v16;
	v6 =	vtrunc.f32 v6;
	v5 =	vcvt.f32.s32 v5  }
0x24: {  	v22 =	vadd.f32 $5.000000000e-01, v22;
	v10 =	vtrunc.f32 v10;
	v6 =	vcvt.f32.s32 v6  }
0x25: {  	v8 =	vtrunc.f32 v8;
	v7 =	vtrunc.f32 v7;
	vm0 =	vlt.s32 v5, $0x63  }
0x26: {  	v11 =	vtrunc.f32 v11;
	v5 =	vnsel vm0, $0x63, v5;
	vm0 =	vlt.s32 v6, $0xFF  }
0x27: {  	v12 =	vld.idx.msk [tilespmem:v12+s5+$0x0], $0xffff;
	v9 =	vtrunc.f32 v9;
	v5 =	vshll.u32 v5, $0x1;
	v6 =	vnsel vm0, $0xFF, v6  }
0x28: {  	v16 =	vtrunc.f32 v16;
	v22 =	vtrunc.f32 v22;
	v6 =	vshll.u32 v6, $0x1  }
0x29: {  	v8 =	vcvt.f32.s32 v8;
	v7 =	vcvt.f32.s32 v7;
	v13 =	vor.u32 $0x1, v5  }
0x2a: {  	v11 =	vcvt.f32.s32 v11;
	v9 =	vcvt.f32.s32 v9;
	v14 =	vor.u32 $0x1, v6  }
0x2b: {  	v17 =	vor.u32 s23, v4;
	v10 =	vcvt.f32.s32 v10;
	v16 =	vcvt.f32.s32 v16  }
0x2c: {  	v29 =	vor.u32 s28, v4;
	v22 =	vcvt.f32.s32 v22;
	v12 =	vmul.f32 $9.900000000e+01, v12;
	v5 =	vld.idx.msk [tilespmem:v5+s4+$0x0], $0xffff  }
0x2d: {  	vm1 =	vlt.s32 v7, $0xFF;
	vm2 =	vlt.s32 v11, $0x63;
	vm3 =	vlt.s32 v9, $0xFF;
	v6 =	vld.idx.msk [tilespmem:v6+s3+$0x0], $0xffff  }
0x2e: {  	vm5 =	vlt.s32 v10, $0xFF;
	v12 =	vadd.f32 $5.000000000e-01, v12;
	v7 =	vnsel vm1, $0xFF, v7;
	v13 =	vld.idx.msk [tilespmem:v13+s4+$0x0], $0xffff  }
0x2f: {  	v11 =	vnsel vm2, $0x63, v11;
	v9 =	vnsel vm3, $0xFF, v9;
	v10 =	vnsel vm5, $0xFF, v10;
	v14 =	vld.idx.msk [tilespmem:v14+s3+$0x0], $0xffff  }
0x30: {  	v18 =	vld.idx.msk [tilespmem:v18+s5+$0x0], $0xffff;
	vm2 =	vlt.s32 v22, $0x63;
	vm0 =	vlt.s32 v8, $0x63;
	v7 =	vshll.u32 v7, $0x1  }
0x31: {  	v19 =	vld.idx.msk [tilespmem:v19+s5+$0x0], $0xffff;
	v11 =	vshll.u32 v11, $0x1;
	v9 =	vshll.u32 v9, $0x1;
	v10 =	vshll.u32 v10, $0x1  }
0x32: {  	v21 =	vld.idx.msk [tilespmem:v21+s5+$0x0], $0xffff;
	v22 =	vnsel vm2, $0x63, v22;
	v12 =	vtrunc.f32 v12;
	v8 =	vnsel vm0, $0x63, v8  }
0x33: {  	v28 =	vld.idx.msk [tilespmem:v28+s5+$0x0], $0xffff;
	v23 =	vor.u32 $0x1, v7;
	v24 =	vor.u32 $0x1, v11;
	v12 =	vcvt.f32.s32 v12  }
0x34: {  	v35 =	vld.idx.msk [tilespmem:v35+s5+$0x0], $0xffff;
	v26 =	vor.u32 $0x1, v9;
	v5 =	vmul.f32 v6, v5;
	v6 =	vmul.f32 v14, v13  }
0x35: {  	vm0 =	vlt.s32 v16, $0x63;
	v22 =	vshll.u32 v22, $0x1;
	vm4 =	vlt.s32 v12, $0x63;
	v14 =	vld.idx.msk [tilespmem:v20+s5+$0x0], $0xffff  }
0x36: {  	v31 =	vld.idx.msk [tilespmem:v31+s5+$0x0], $0xffff;
	v20 =	vadd.f32 v6, v5;
	v6 =	vadd.f32 $5.000000000e-01, v15;
	v15 =	vmul.f32 $4.074366380e+01, v18  }
0x37: {  	v8 =	vshll.u32 v8, $0x1;
	v16 =	vnsel vm0, $0x63, v16;
	v12 =	vnsel vm4, $0x63, v12;
	v7 =	vld.idx.msk [tilespmem:v7+s3+$0x0], $0xffff  }
0x38: {  	v16 =	vshll.u32 v16, $0x1;
	v11 =	vld.idx.msk [tilespmem:v11+s4+$0x0], $0xffff;
	v12 =	vshll.u32 v12, $0x1;
	v15 =	vadd.f32 $5.000000000e-01, v15  }
0x39: {  	v25 =	vor.u32 $0x1, v12;
	v5 =	vld.idx.msk [tilespmem:v17+s5+$0x0], $0xffff;
	v18 =	vmul.f32 $4.074366380e+01, v19;
	v19 =	vmul.f32 $4.074366380e+01, v21  }
0x3a: {  	v13 =	vor.u32 $0x1, v8;
	v21 =	vld.idx.msk [tilespmem:v23+s3+$0x0], $0xffff;
	v14 =	vmul.f32 $9.900000000e+01, v14;
	v15 =	vtrunc.f32 v15  }
0x3b: {  	v17 =	vor.u32 $0x1, v10;
	v23 =	vld.idx.msk [tilespmem:v24+s4+$0x0], $0xffff;
	v18 =	vadd.f32 $5.000000000e-01, v18;
	v15 =	vcvt.f32.s32 v15  }
0x3c: {  	v24 =	vld.idx.msk [tilespmem:v26+s3+$0x0], $0xffff;
	v26 =	vor.u32 $0x1, v16;
	v6 =	vtrunc.f32 v6;
	v14 =	vadd.f32 $5.000000000e-01, v14  }
0x3d: {  	v9 =	vld.idx.msk [tilespmem:v9+s3+$0x0], $0xffff;
	v19 =	vadd.f32 $5.000000000e-01, v19;
	v18 =	vtrunc.f32 v18;
	vm0 =	vlt.s32 v15, $0xFF  }
0x3e: {  	v12 =	vld.idx.msk [tilespmem:v12+s4+$0x0], $0xffff;
	v5 =	vmul.f32 $9.900000000e+01, v5;
	v14 =	vtrunc.f32 v14;
	v15 =	vnsel vm0, $0xFF, v15  }
0x3f: {  	v13 =	vld.idx.msk [tilespmem:v13+s4+$0x0], $0xffff;
	v19 =	vtrunc.f32 v19;
	v14 =	vcvt.f32.s32 v14;
	v15 =	vshll.u32 v15, $0x1  }
0x40: {  	v25 =	vld.idx.msk [tilespmem:v25+s4+$0x0], $0xffff;
	v18 =	vcvt.f32.s32 v18;
	v5 =	vadd.f32 $5.000000000e-01, v5;
	v27 =	vor.u32 $0x1, v15  }
0x41: {  	v16 =	vld.idx.msk [tilespmem:v16+s4+$0x0], $0xffff;
	v6 =	vcvt.f32.s32 v6;
	v19 =	vcvt.f32.s32 v19;
	vm0 =	vlt.s32 v14, $0x63  }
0x42: {  	v26 =	vld.idx.msk [tilespmem:v26+s4+$0x0], $0xffff;
	vm1 =	vlt.s32 v18, $0xFF;
	v5 =	vtrunc.f32 v5;
	v14 =	vnsel vm0, $0x63, v14  }
0x43: {  	vm3 =	vlt.s32 v19, $0xFF;
	v5 =	vcvt.f32.s32 v5;
	v36 =	vshll.u32 v14, $0x1;
	v14 =	vld.idx.msk [tilespmem:v32+s5+$0x0], $0xffff  }
0x44: {  	v18 =	vnsel vm1, $0xFF, v18;
	v19 =	vnsel vm3, $0xFF, v19;
	v21 =	vmul.f32 v21, v13;
	v15 =	vld.idx.msk [tilespmem:v15+s3+$0x0], $0xffff  }
0x45: {  	v18 =	vshll.u32 v18, $0x1;
	vm0 =	vlt.s32 v6, $0xFF;
	vm4 =	vlt.s32 v5, $0x63;
	v27 =	vld.idx.msk [tilespmem:v27+s3+$0x0], $0xffff  }
0x46: {  	v8 =	vld.idx.msk [tilespmem:v8+s4+$0x0], $0xffff;
	v19 =	vshll.u32 v19, $0x1;
	v6 =	vnsel vm0, $0xFF, v6;
	v5 =	vnsel vm4, $0x63, v5  }
0x47: {  	v37 =	vshll.u32 v5, $0x1;
	v5 =	vmul.f32 v24, v23;
	v23 =	vmul.f32 $4.074366380e+01, v28;
	v28 =	vld.idx.msk [tilespmem:v29+s5+$0x0], $0xffff  }
0x48: {  	v17 =	vld.idx.msk [tilespmem:v17+s3+$0x0], $0xffff;
	v13 =	vor.u32 $0x1, v19;
	v58 =	vshll.u32 v6, $0x1;
	v14 =	vmul.f32 $9.900000000e+01, v14  }
0x49: {  	v10 =	vld.idx.msk [tilespmem:v10+s3+$0x0], $0xffff;
	v29 =	vmul.f32 $4.074366380e+01, v35;
	v23 =	vadd.f32 $5.000000000e-01, v23;
	v6 =	vmul.f32 v15, v16  }
0x4a: {  	v16 =	vor.u32 $0x1, v36;
	v14 =	vadd.f32 $5.000000000e-01, v14;
	v15 =	vmul.f32 v27, v26;
	v26 =	vld.idx.msk [tilespmem:v30+s5+$0x0], $0xffff  }
0x4b: {  	v24 =	vld.idx.msk [tilespmem:v34+s5+$0x0], $0xffff;
	v38 =	vor.u32 $0x1, v37;
	v59 =	vtrunc.f32 v23;
	v27 =	vor.u32 $0x1, v18  }
0x4c: {  	v28 =	vmul.f32 $9.900000000e+01, v28;
	v14 =	vtrunc.f32 v14;
	v39 =	vadd.f32 v15, v6;
	v15 =	vld.idx.msk [tilespmem:v33+s5+$0x0], $0xffff  }
0x4d: {  	v30 =	vor.u32 $0x1, v22;
	v6 =	vmul.f32 v17, v25;
	v25 =	vmul.f32 v7, v8  }
0x4e: {  	v13 =	vld.idx.msk [tilespmem:v13+s3+$0x0], $0xffff;
	v23 =	vadd.f32 $5.000000000e-01, v29;
	v7 =	vmul.f32 v9, v11;
	v8 =	vmul.f32 v10, v12  }
0x4f: {  	v17 =	vor.u32 $0x1, v58;
	v12 =	vmul.f32 $9.900000000e+01, v31;
	v9 =	vld.idx.msk [tilespmem:v16+s4+$0x0], $0xffff;
	v16 =	vmul.f32 $4.074366380e+01, v26  }
0x50: {  	s6 =	simm.s32 $0xB20;
	v10 =	vld.idx.msk [tilespmem:v27+s3+$0x0], $0xffff;
	v27 =	vcvt.f32.s32 v14;
	v14 =	vtrunc.f32 v23  }
0x51: {  	[tilespmem:s6+$0x10] =	vst v20;
	v20 =	vld.idx.msk [tilespmem:v58+s3+$0x0], $0xffff;
	v23 =	vmul.f32 $9.900000000e+01, v24;
	v15 =	vmul.f32 $4.074366380e+01, v15  }
0x52: {  	v11 =	vld.idx.msk [tilespmem:v30+s4+$0x0], $0xffff;
	v29 =	vcvt.f32.s32 v14;
	v26 =	vadd.f32 $5.000000000e-01, v16;
	v16 =	vadd.f32 $5.000000000e-01, v12  }
0x53: {  	v12 =	vld.idx.msk [tilespmem:v38+s4+$0x0], $0xffff;
	vm0 =	vlt.s32 v27, $0x63;
	v23 =	vadd.f32 $5.000000000e-01, v23;
	v24 =	vadd.f32 $5.000000000e-01, v15  }
0x54: {  	v14 =	vld.idx.msk [tilespmem:v17+s3+$0x0], $0xffff;
	v30 =	vtrunc.f32 v16;
	v16 =	vnsel vm0, $0x63, v27;
	vm0 =	vlt.s32 v29, $0xFF  }
0x55: {  	v17 =	vld.idx.msk [tilespmem:v18+s3+$0x0], $0xffff;
	v27 =	vadd.f32 $5.000000000e-01, v28;
	v31 =	vshll.u32 v16, $0x1;
	v18 =	vnsel vm0, $0xFF, v29  }
0x56: {  	v28 =	vtrunc.f32 v23;
	v16 =	vld.idx.msk [tilespmem:v22+s4+$0x0], $0xffff;
	v22 =	vtrunc.f32 v26;
	v60 =	vshll.u32 v18, $0x1  }
0x57: {  	v15 =	vld.idx.msk [tilespmem:v36+s4+$0x0], $0xffff;
	v29 =	vcvt.f32.s32 v28;
	v61 =	vtrunc.f32 v27;
	v23 =	vor.u32 $0x1, v31  }
0x58: {  	v18 =	vld.idx.msk [tilespmem:v19+s3+$0x0], $0xffff;
	v62 =	vtrunc.f32 v24;
	v27 =	vcvt.f32.s32 v30;
	v24 =	vor.u32 $0x1, v60  }
0x59: {  	s8 =	simm.s32 $0xB60;
	v63 =	vadd.f32 v21, v25;
	v19 =	vld.idx.msk [tilespmem:v37+s4+$0x0], $0xffff;
	v26 =	vcvt.f32.s32 v22;
	v28 =	vcvt.f32.s32 v62  }
0x5a: {  	[tilespmem:s8+$0x10] =	vst v39;
	v25 =	vcvt.f32.s32 v59;
	v30 =	vcvt.f32.s32 v61;
	vm2 =	vlt.s32 v29, $0x63;
	v21 =	vld.idx.msk [tilespmem:v31+s4+$0x0], $0xffff  }
0x5b: {  	s9 =	simm.s32 $0x8;
	s10 =	simm.s32 $0x180;
	s7 =	simm.s32 $0xB60;
	[tilespmem:s6+$0xFFFFFFF0] =	vst v63;
	vm1 =	vlt.s32 v27, $0x63;
	vm3 =	vlt.s32 v26, $0xFF;
	vm0 =	vlt.s32 v28, $0xFF;
	v22 =	vld.idx.msk [tilespmem:v60+s3+$0x0], $0xffff  }
.LBB2_1:
0x5c: {  	v31 =	vor.u32 s10, v0;
	v32 =	vor.u32 s10, v4;
	s11 =	sadd.s32 $0x20, s10;
	s12 =	sadd.s32 $0x40, s10;
	s13 =	sadd.s32 $0x60, s10;
	vm4 =	vlt.s32 v30, $0x63;
	v23 =	vld.idx.msk [tilespmem:v23+s4+$0x0], $0xffff  }
0x5d: {  	v33 =	vor.u32 s11, v0;
	v34 =	vor.u32 s11, v2;
	v35 =	vor.u32 s13, v1;
	v24 =	vld.idx.msk [tilespmem:v24+s3+$0x0], $0xffff  }
0x5e: {  	s9 =	sadd.s32 $0x4, s9;
	v36 =	vor.u32 s12, v0;
	v37 =	vor.u32 s12, v3;
	v38 =	vor.u32 s13, v0  }
0x5f: {  	vm5 =	vlt.s32 v25, $0xFF;
	v27 =	vnsel vm1, $0x63, v27;
	v26 =	vnsel vm3, $0xFF, v26;
	p0 =	slt.u32 s9, $0x3C  }
0x60: {  	v29 =	vnsel vm2, $0x63, v29;
	v28 =	vnsel vm0, $0xFF, v28;
	v30 =	vnsel vm4, $0x63, v30  }
0x61: {  	v25 =	vnsel vm5, $0xFF, v25;
	v27 =	vshll.u32 v27, $0x1;
	v26 =	vshll.u32 v26, $0x1;
	v31 =	vld.idx.msk [tilespmem:v31+s5+$0x0], $0xffff  }
0x62: {  	v29 =	vshll.u32 v29, $0x1;
	v28 =	vshll.u32 v28, $0x1;
	v30 =	vshll.u32 v30, $0x1;
	v35 =	vld.idx.msk [tilespmem:v35+s5+$0x0], $0xffff  }
0x63: {  	v25 =	vshll.u32 v25, $0x1;
	v21 =	vmul.f32 v22, v21;
	v22 =	vmul.f32 v24, v23;
	v38 =	vld.idx.msk [tilespmem:v38+s5+$0x0], $0xffff  }
0x64: {  	v39 =	vor.u32 $0x1, v29;
	v24 =	vor.u32 $0x1, v27;
	v23 =	vld.idx.msk [tilespmem:v33+s5+$0x0], $0xffff;
	v33 =	vor.u32 $0x1, v26  }
0x65: {  	v41 =	vor.u32 $0x1, v28;
	v40 =	vor.u32 $0x1, v30;
	v21 =	vadd.f32 v22, v21;
	v34 =	vld.idx.msk [tilespmem:v34+s5+$0x0], $0xffff  }
0x66: {  	v42 =	vmul.f32 v10, v9;
	v9 =	vmul.f32 v13, v11;
	s8 =	sadd.s32 $0x40, s8;
	v22 =	vld.idx.msk [tilespmem:v36+s5+$0x0], $0xffff;
	v36 =	vor.u32 $0x1, v25  }
0x67: {  	v11 =	vmul.f32 v14, v12;
	v12 =	vadd.f32 v5, v7;
	v10 =	vmul.f32 $4.074366380e+01, v31;
	v31 =	vld.idx.msk [tilespmem:v37+s5+$0x0], $0xffff;
	[tilespmem:s8+$0x10] =	vst v21  }
0x68: {  	v14 =	vadd.f32 v6, v8;
	v5 =	vmovc v9;
	v13 =	vmul.f32 $9.900000000e+01, v35;
	v21 =	vld.idx.msk [tilespmem:v32+s5+$0x0], $0xffff;
	v32 =	vmul.f32 v17, v15  }
0x69: {  	v7 =	vmul.f32 v18, v16;
	v6 =	vmovc v11;
	v15 =	vadd.f32 $5.000000000e-01, v10;
	v17 =	vmul.f32 $4.074366380e+01, v38;
	v9 =	vld.idx.msk [tilespmem:v24+s4+$0x0], $0xffff;
	[tilespmem:s6+$0x0] =	vst v12  }
0x6a: {  	v8 =	vmul.f32 v20, v19;
	v12 =	vmul.f32 $4.074366380e+01, v23;
	v13 =	vadd.f32 $5.000000000e-01, v13;
	v10 =	vld.idx.msk [tilespmem:v33+s3+$0x0], $0xffff;
	[tilespmem:s6+$0xFFFFFFE0] =	vst v14;
	s6 =	smov.u32 s7;
	s7 =	smov.u32 s8  }
0x6b: {  	v33 =	vtrunc.f32 v15;
	v14 =	vmul.f32 $9.900000000e+01, v34;
	v15 =	vadd.f32 $5.000000000e-01, v17;
	v11 =	vld.idx.msk [tilespmem:v39+s4+$0x0], $0xffff  }
0x6c: {  	v18 =	vadd.f32 $5.000000000e-01, v12;
	v16 =	vmul.f32 $4.074366380e+01, v22;
	v12 =	vtrunc.f32 v13;
	v13 =	vld.idx.msk [tilespmem:v41+s3+$0x0], $0xffff  }
0x6d: {  	v17 =	vadd.f32 $5.000000000e-01, v14;
	v19 =	vcvt.f32.s32 v12;
	v14 =	vtrunc.f32 v15;
	v12 =	vld.idx.msk [tilespmem:v40+s4+$0x0], $0xffff  }
0x6e: {  	v20 =	vmul.f32 $9.900000000e+01, v31;
	v22 =	vadd.f32 $5.000000000e-01, v16;
	v16 =	vcvt.f32.s32 v14;
	v14 =	vld.idx.msk [tilespmem:v36+s3+$0x0], $0xffff  }
0x6f: {  	v21 =	vmul.f32 $9.900000000e+01, v21;
	v24 =	vtrunc.f32 v17;
	vm0 =	vlt.s32 v19, $0x63;
	v15 =	vld.idx.msk [tilespmem:v27+s4+$0x0], $0xffff  }
0x70: {  	v20 =	vadd.f32 $5.000000000e-01, v20;
	v19 =	vnsel vm0, $0x63, v19;
	vm0 =	vlt.s32 v16, $0xFF;
	v17 =	vld.idx.msk [tilespmem:v26+s3+$0x0], $0xffff  }
0x71: {  	v21 =	vadd.f32 $5.000000000e-01, v21;
	v31 =	vshll.u32 v19, $0x1;
	v19 =	vnsel vm0, $0xFF, v16;
	v16 =	vld.idx.msk [tilespmem:v29+s4+$0x0], $0xffff  }
0x72: {  	v26 =	vtrunc.f32 v18;
	v29 =	vtrunc.f32 v20;
	v34 =	vshll.u32 v19, $0x1;
	v18 =	vld.idx.msk [tilespmem:v28+s3+$0x0], $0xffff  }
.Ltmp0:
0x73: {  	v22 =	vtrunc.f32 v22;
	v21 =	vtrunc.f32 v21;
	v23 =	vor.u32 $0x1, v31;
	v19 =	vld.idx.msk [tilespmem:v30+s4+$0x0], $0xffff;
	(pc) =	sbr.rel @p0 .LBB2_1-.Ltmp0, $4  }
0x74: {  	v27 =	vcvt.f32.s32 v24;
	v26 =	vcvt.f32.s32 v26;
	v24 =	vor.u32 $0x1, v34;
	v20 =	vld.idx.msk [tilespmem:v25+s3+$0x0], $0xffff  }
0x75: {  	v32 =	vadd.f32 v42, v32;
	v29 =	vcvt.f32.s32 v29;
	v28 =	vcvt.f32.s32 v22  }
0x76: {  	vm1 =	vlt.s32 v27, $0x63;
	v30 =	vcvt.f32.s32 v21;
	v25 =	vcvt.f32.s32 v33;
	v21 =	vld.idx.msk [tilespmem:v31+s4+$0x0], $0xffff  }
0x77: {  	s10 =	sadd.s32 $0x80, s10;
	vm3 =	vlt.s32 v26, $0xFF;
	vm2 =	vlt.s32 v29, $0x63;
	vm0 =	vlt.s32 v28, $0xFF;
	v22 =	vld.idx.msk [tilespmem:v34+s3+$0x0], $0xffff;
	[tilespmem:s6+$0xFFFFFFF0] =	vst v32  }
0x78: {  	v0 =	vnsel vm1, $0x63, v27  }
0x79: {  	v1 =	vnsel vm3, $0xFF, v26;
	v0 =	vshll.u32 v0, $0x1  }
0x7a: {  	v2 =	vnsel vm2, $0x63, v29;
	v1 =	vshll.u32 v1, $0x1  }
0x7b: {  	v4 =	vnsel vm0, $0xFF, v28;
	v2 =	vshll.u32 v2, $0x1  }
0x7c: {  	v23 =	vld.idx.msk [tilespmem:v23+s4+$0x0], $0xffff;
	v4 =	vshll.u32 v4, $0x1  }
0x7d: {  	v24 =	vld.idx.msk [tilespmem:v24+s3+$0x0], $0xffff;
	v3 =	vor.u32 $0x1, v0  }
0x7e: {  	v48 =	vor.u32 $0x1, v1;
	v0 =	vld.idx.msk [tilespmem:v0+s4+$0x0], $0xffff  }
0x7f: {  	vm4 =	vlt.s32 v30, $0x63;
	v50 =	vor.u32 $0x1, v2;
	v1 =	vld.idx.msk [tilespmem:v1+s3+$0x0], $0xffff  }
0x80: {  	vm15 =	vlt.s32 v25, $0xFF;
	v49 =	vnsel vm4, $0x63, v30;
	v51 =	vor.u32 $0x1, v4;
	v2 =	vld.idx.msk [tilespmem:v2+s4+$0x0], $0xffff  }
0x81: {  	v25 =	vnsel vm15, $0xFF, v25;
	v27 =	vshll.u32 v49, $0x1;
	v4 =	vld.idx.msk [tilespmem:v4+s3+$0x0], $0xffff  }
0x82: {  	v25 =	vshll.u32 v25, $0x1;
	v3 =	vld.idx.msk [tilespmem:v3+s4+$0x0], $0xffff  }
0x83: {  	v52 =	vor.u32 $0x1, v27;
	v26 =	vld.idx.msk [tilespmem:v48+s3+$0x0], $0xffff  }
0x84: {  	v31 =	vor.u32 $0x1, v25;
	v28 =	vld.idx.msk [tilespmem:v50+s4+$0x0], $0xffff  }
0x85: {  	v29 =	vld.idx.msk [tilespmem:v51+s3+$0x0], $0xffff  }
0x86: {  	v54 =	vld.idx.msk [tilespmem:v27+s4+$0x0], $0xffff  }
0x87: {  	v56 =	vld.idx.msk [tilespmem:v25+s3+$0x0], $0xffff  }
0x88: {  	v9 =	vmul.f32 v10, v9;
	v5 =	vadd.f32 v5, v7;
	v55 =	vmul.f32 v17, v15;
	v30 =	vld.idx.msk [tilespmem:v52+s4+$0x0], $0xffff  }
0x89: {  	v11 =	vmul.f32 v13, v11;
	v6 =	vadd.f32 v6, v8;
	v57 =	vmul.f32 v18, v16;
	v31 =	vld.idx.msk [tilespmem:v31+s3+$0x0], $0xffff  }
0x8a: {  	v12 =	vmul.f32 v14, v12;
	v58 =	vmul.f32 v20, v19;
	[tilespmem:s6+$0x0] =	vst v5;
	v7 =	vadd.f32 v9, v55  }
0x8b: {  	[tilespmem:s6+$0xFFFFFFE0] =	vst v6;
	v59 =	vadd.f32 v11, v57;
	v21 =	vmul.f32 v22, v21;
	v53 =	vmul.f32 v24, v23  }
0x8c: {  	v5 =	vadd.f32 v12, v58;
	[tilespmem:s7+$0xFFFFFFF0] =	vst v7;
	v0 =	vmul.f32 v1, v0;
	v3 =	vmul.f32 v26, v3  }
0x8d: {  	[tilespmem:s7+$0x0] =	vst v59;
	v21 =	vadd.f32 v53, v21;
	v2 =	vmul.f32 v4, v2;
	v60 =	vmul.f32 v29, v28  }
0x8e: {  	s26 =	sadd.s32 $0x40, s8;
	[tilespmem:s7+$0xFFFFFFE0] =	vst v5;
	v62 =	vmul.f32 v56, v54;
	v61 =	vmul.f32 v31, v30;
	v0 =	vadd.f32 v3, v0  }
0x8f: {  	[tilespmem:s26+$0x10] =	vst v21;
	v1 =	vadd.f32 v60, v2  }
0x90: {  	v63 =	vadd.f32 v61, v62;
	[tilespmem:s26+$0xFFFFFFF0] =	vst v0  }
0x91: {  	s28 =	sshll.u32 s1, $0x7;
	s29 =	simm.s32 $0x0;
	[tilespmem:s26+$0x0] =	vst v1  }
0x92: {  	s30 =	simm.s32 $0xB00;
	s31 =	simm.s32 $0x3;
	s2 =	sadd.s32 s2, s28;
	[tilespmem:s26+$0xFFFFFFE0] =	vst v63  }
0x93: {  	[hbm4b:s2+s29] =	stream.linear.scatter [tilespmem:s30], [sflag:$0x3], $0x400, $0x38;
	[tilespmem:$0xF00] =	vst v63  }
0x94: {  	_ =	swait.ge [sflag:s31], $0x400  }
0x95: {  	[sflag:s31] =	ssyncset.done $0x0  }
0x96: {  	[sflag:s31] =	ssyncadd.s32 $0xFFFFFC00  }
0x97: {  	_ =	sfence.sel $0x180000  }
0x98: {  	[bflag:$0x0] =	sbarrier.arrive $0xFFFF  }
0x99: {  	p0 =	sne.s32 s1, $0x0;
	_ =	strace $0x90000047  }
0x9a: {  	s0 =	sadd.s32 @!p0 $0x100000, s0;
	[bflag:$0x2] =	sbarrier.arrive $0xFFFF  }
0x9b: {  	[sflag:s0] =	ssyncadd.tile.s32 @!p0 $0x1;
	_ =	shalt  }
.Lfunc_end2:
_tile_overlayer_lowered:
.L_overlay_start_2:
0x9c: {  	(tag) =	ssettag $0x2  }
0x9d: {  	s0 =	rddreg [dreg:$0x0];
	s2 =	stileid.u32  }
0x9e: {  	s1 =	rddreg [dreg:$0x1];
	p0 =	sne.s32 s2, $0x0  }
0x9f: {  	s3 =	rddreg [dreg:$0x2];
	[bflag:$0x3] =	sbarrier.arrive $0xFFFF;
	s2 =	simm.s32 @!p0 $0x1C04  }
0xa0: {  	[timem:s3], [sflag:s2] =	dma.local @!p0 [hbm:s0], s1  }
0xa1: {  	s0 =	simm.s32 @!p0 $0x4  }
0xa2: {  	_ =	swait.ge @!p0 [sflag:s0], s1  }
0xa3: {  	s1 =	ssub.s32 @!p0 $0x0, s1;
	[sflag:s0] =	ssyncset.done @!p0 $0x0  }
0xa4: {  	[sflag:s0] =	ssyncadd.s32 @!p0 s1  }
0xa5: {  	[bflag:$0x3] =	sbarrier.arrive $0xFFFF  }
0xa6: {  	_ =	shalt  }

</sc_bundles>
